<compile_context>
chip_gen: v7x
topology: tpu7x:2x2x1
jax: 0.10.2.dev20260603
libtpu: 0.0.44.dev20260713+nightly
codegen_flags: <defaults>
</compile_context>

<pallas_src>
import functools

import jax
import jax.numpy as jnp
from jax import lax
from jax.experimental import pallas as pl
from jax.experimental.pallas import tpu as pltpu
from jax.experimental.pallas import tpu_sc as plsc


_CC = 2048
_WINDOW = 8


def kernel(edge_index, W):
    E = edge_index.shape[1]
    D = W.shape[1]
    info = plsc.get_sparse_core_info()
    nw = info.num_cores * info.num_subcores
    n_tile_rows = D // 8
    sc_per_row = nw // n_tile_rows
    n_chunks = -(-E // _CC)
    per_sc = -(-n_chunks // sc_per_row)
    last_start = E - _CC
    mesh = plsc.VectorSubcoreMesh(core_axis_name="c", subcore_axis_name="s")

    @functools.partial(
        pl.kernel,
        mesh=mesh,
        out_type=jax.ShapeDtypeStruct((D, E), jnp.float32),
        scratch_types=[
            pltpu.MemorySpace.VMEM((16,), jnp.float32),
            pltpu.MemorySpace.VMEM((8, _CC), jnp.float32),
            pltpu.SemaphoreType.DMA,
        ],
    )
    def fill_kernel(w_hbm, o_hbm, wv, buf, sem):
        wid = lax.axis_index("s") * info.num_cores + lax.axis_index("c")
        tile_row = wid // sc_per_row
        quarter = wid % sc_per_row
        for s in range(8):
            row = tile_row * 8 + s
            pltpu.sync_copy(w_hbm.at[pl.ds(row * 16, 16)], wv)
            splat = wv[...]

            @pl.loop(0, _CC, step=16)
            def _fill(i):
                buf[s, pl.ds(i, 16)] = splat

        lo = quarter * per_sc
        hi = jnp.minimum(lo + per_sc, n_chunks)

        def _dst(j):
            col0 = jnp.minimum(j * _CC, last_start)
            return o_hbm.at[pl.ds(tile_row * 8, 8), pl.ds(col0, _CC)]

        @pl.loop(lo, hi)
        def _fire(j):
            pltpu.make_async_copy(buf, _dst(j), sem).start()

            @pl.when(j >= lo + _WINDOW)
            def _():
                pltpu.make_async_copy(buf, _dst(j - _WINDOW), sem).wait()

        @pl.loop(jnp.maximum(hi - _WINDOW, lo), hi)
        def _drain(j):
            pltpu.make_async_copy(buf, _dst(j), sem).wait()

    w_rep = jnp.repeat(W.reshape(D), 16)
    out_t = fill_kernel(w_rep)
    return out_t.T

# --- scband reference (transcript-rebuilt; emitter-appended) ---
"""Pipeline reference for scband-dummy-edge-encoder-18786186952959 (READ-ONLY COPY).

The authoritative reference and input builder live on the scoring server;
editing this copy changes nothing except your own understanding.
"""

import jax, jax.numpy as jnp
import numpy as np

DIM_EMB = 64
N_NODES = 50000
N_EDGES = 800000


def setup_inputs(seed: int = 0) -> dict:
    key = jax.random.key(seed)
    k_idx, k_w = jax.random.split(key)
    edge_index = jax.random.randint(k_idx, (2, N_EDGES), 0, N_NODES, dtype=jnp.int64)
    # learned parameter: nn.Embedding(1, dim_emb) weight, shape [1, dim_emb]
    W = jax.random.normal(k_w, (1, DIM_EMB), dtype=jnp.float32) * 0.02
    return {"edge_index": edge_index, "W": W}


def reference(edge_index, W):
    # dummy_attr = batch.edge_index.new_zeros(E)  -> all-zero indices
    E = edge_index.shape[1]
    dummy_attr = jnp.zeros((E,), dtype=jnp.int32)
    # batch.edge_attr = self.encoder(dummy_attr)  -> embedding gather
    edge_attr = jnp.take(W, dummy_attr, axis=0)  # [E, dim_emb]
    return edge_attr

if __name__ == "__main__":
    import jax
    _d = setup_inputs()
    print(jax.jit(kernel)(*tuple(_d.values())))

</pallas_src>

<mosaic_0001>
#map = affine_map<(d0, d1) -> (0)>
#map1 = affine_map<(d0, d1) -> (0, 0)>
module attributes {stable_mosaic.version = 14 : i64} {
  func.func @fill_kernel(%arg0: i32, %arg1: i32, %arg2: memref<1024xf32, #tpu.memory_space<hbm>>, %arg3: memref<64x800000xf32, #tpu.memory_space<hbm>>, %arg4: memref<16xf32, #tpu.memory_space<vmem>>, %arg5: memref<8x2048xf32, #tpu.memory_space<vmem>>, %arg6: memref<!tpu.dma_semaphore, #tpu.memory_space<semaphore_mem>>) attributes {dimension_semantics = [#tpu.dimension_semantics<core_parallel>, #tpu.dimension_semantics<subcore_parallel>], iteration_bounds = array<i64: 2, 16>, scalar_prefetch = 0 : i64, scratch_operands = 3 : i64, tpu.core_type = #tpu.core_type<sc_vector_subcore>, window_params = [{transform_indices = #map}, {transform_indices = #map1}]} {
    %mul3A = arith.constant 2 : i32
    %mul3A_0 = arith.muli %arg1, %mul3A : i32
    %add3A = arith.addi %mul3A_0, %arg0 : i32
    %jit3A = arith.constant 4 : i32
    %div3A = arith.divsi %add3A, %jit3A : i32
    %sign3A = arith.constant 0 : i32
    %sign3A_1 = arith.cmpi sgt, %add3A, %sign3A : i32
    %sign3A_2 = arith.extui %sign3A_1 : i1 to i32
    %sign3A_3 = arith.constant 0 : i32
    %sign3A_4 = arith.cmpi slt, %add3A, %sign3A_3 : i32
    %sign3A_5 = arith.extui %sign3A_4 : i1 to i32
    %sign3A_6 = arith.subi %sign3A_2, %sign3A_5 : i32
    %sign3A_7 = arith.constant 0 : i32
    %sign3A_8 = arith.cmpi sgt, %jit3A, %sign3A_7 : i32
    %sign3A_9 = arith.extui %sign3A_8 : i1 to i32
    %sign3A_10 = arith.constant 0 : i32
    %sign3A_11 = arith.cmpi slt, %jit3A, %sign3A_10 : i32
    %sign3A_12 = arith.extui %sign3A_11 : i1 to i32
    %sign3A_13 = arith.subi %sign3A_9, %sign3A_12 : i32
    %ne3A = arith.cmpi ne, %sign3A_6, %sign3A_13 : i32
    %rem3A = arith.remsi %add3A, %jit3A : i32
    %ne3A_14 = arith.constant 0 : i32
    %ne3A_15 = arith.cmpi ne, %rem3A, %ne3A_14 : i32
    %and3A = arith.andi %ne3A, %ne3A_15 : i1
    %sub3A = arith.constant 1 : i32
    %sub3A_16 = arith.subi %div3A, %sub3A : i32
    %select_n3A = arith.select %and3A, %sub3A_16, %div3A : i32
    %jit3A_17 = arith.constant 4 : i32
    %eq3A = arith.constant 0 : i32
    %eq3A_18 = arith.cmpi eq, %jit3A_17, %eq3A : i32
    %jit3A_19 = arith.constant 1 : i32
    %select_n3A_20 = arith.select %eq3A_18, %jit3A_19, %jit3A_17 : i32
    %rem3A_21 = arith.remsi %add3A, %select_n3A_20 : i32
    %ne3A_22 = arith.constant 0 : i32
    %ne3A_23 = arith.cmpi ne, %rem3A_21, %ne3A_22 : i32
    %lt3A = arith.constant 0 : i32
    %lt3A_24 = arith.cmpi slt, %rem3A_21, %lt3A : i32
    %lt3A_25 = arith.constant 0 : i32
    %lt3A_26 = arith.cmpi slt, %select_n3A_20, %lt3A_25 : i32
    %ne3A_27 = arith.xori %lt3A_24, %lt3A_26 : i1
    %and3A_28 = arith.andi %ne3A_27, %ne3A_23 : i1
    %add3A_29 = arith.addi %rem3A_21, %select_n3A_20 : i32
    %select_n3A_30 = arith.select %and3A_28, %add3A_29, %rem3A_21 : i32
    %mul3A_31 = arith.constant 8 : i32
    %mul3A_32 = arith.muli %select_n3A, %mul3A_31 : i32
    %add3A_33 = arith.constant 0 : i32
    %add3A_34 = arith.addi %mul3A_32, %add3A_33 : i32
    %mul3A_35 = arith.constant 16 : i32
    %mul3A_36 = arith.muli %add3A_34, %mul3A_35 : i32
    "tpu.region"() ({
      %run_scoped3A = tpu.sem_alloc : memref<!tpu.dma_semaphore, #tpu.memory_space<semaphore_mem>>
      %dma_start3A = tpu.memref_slice %arg2[%mul3A_36] : memref<1024xf32, #tpu.memory_space<hbm>> -> memref<16xf32, #tpu.memory_space<hbm>>
      %dma_start3A_181 = tpu.memref_slice %arg2[%mul3A_36] : memref<1024xf32, #tpu.memory_space<hbm>> -> memref<16xf32, #tpu.memory_space<hbm>>
      tpu.enqueue_dma source(%dma_start3A_181 : memref<16xf32, #tpu.memory_space<hbm>>) target(%arg4 : memref<16xf32, #tpu.memory_space<vmem>>) target_semaphore(%run_scoped3A : memref<!tpu.dma_semaphore, #tpu.memory_space<semaphore_mem>>)
      %dma_wait3A = tpu.memref_slice %arg2[%mul3A_36] : memref<1024xf32, #tpu.memory_space<hbm>> -> memref<16xf32, #tpu.memory_space<hbm>>
      %dma_wait3A_182 = tpu.memref_slice %arg2[%mul3A_36] : memref<1024xf32, #tpu.memory_space<hbm>> -> memref<16xf32, #tpu.memory_space<hbm>>
      tpu.wait_dma2 semaphore(%run_scoped3A : memref<!tpu.dma_semaphore, #tpu.memory_space<semaphore_mem>>) src(%dma_wait3A_182 : memref<16xf32, #tpu.memory_space<hbm>>) dst(%arg4 : memref<16xf32, #tpu.memory_space<vmem>>)
      tpu.yield
    }) : () -> ()
    %get3A = arith.constant 0 : index
    %get3A_37 = tpu.vector_load %arg4[%get3A] {strides = array<i32>} : memref<16xf32, #tpu.memory_space<vmem>>, vector<16xf32>,
    %get3A_38 = vector.shape_cast %get3A_37 : vector<16xf32> to vector<16xf32>
    %scan3A = arith.constant 0 : i32
    %scan3A_39 = arith.constant 128 : i32
    %scan3A_40 = arith.addi %scan3A, %scan3A_39 : i32
    %scan3A_41 = arith.constant 1 : i32
    scf.for %scan3A_181 = %scan3A to %scan3A_40 step %scan3A_41  : i32 {
      %mul3A_182 = arith.constant 16 : i32
      %mul3A_183 = arith.muli %scan3A_181, %mul3A_182 : i32
      %add3A_184 = arith.constant 0 : i32
      %add3A_185 = arith.addi %add3A_184, %mul3A_183 : i32
      %swap3A = arith.constant 0 : i32
      %swap3A_186 = arith.index_cast %swap3A : i32 to index
      %swap3A_187 = arith.index_cast %add3A_185 : i32 to index
      %swap3A_188 = tpu.vector_load %arg5[%swap3A_186, %swap3A_187] {strides = array<i32>} : memref<8x2048xf32, #tpu.memory_space<vmem>>, vector<1x16xf32>,
      %swap3A_189 = vector.shape_cast %swap3A_188 : vector<1x16xf32> to vector<16xf32>
      %swap3A_190 = vector.shape_cast %get3A_38 : vector<16xf32> to vector<1x16xf32>
      tpu.vector_store %arg5[%swap3A_186, %swap3A_187], %swap3A_190 {strides = array<i32>} : memref<8x2048xf32, #tpu.memory_space<vmem>>, vector<1x16xf32>,
    }
    %scan3A_42 = arith.constant 128 : i32
    %mul3A_43 = arith.constant 8 : i32
    %mul3A_44 = arith.muli %select_n3A, %mul3A_43 : i32
    %add3A_45 = arith.constant 1 : i32
    %add3A_46 = arith.addi %mul3A_44, %add3A_45 : i32
    %mul3A_47 = arith.constant 16 : i32
    %mul3A_48 = arith.muli %add3A_46, %mul3A_47 : i32
    "tpu.region"() ({
      %run_scoped3A = tpu.sem_alloc : memref<!tpu.dma_semaphore, #tpu.memory_space<semaphore_mem>>
      %dma_start3A = tpu.memref_slice %arg2[%mul3A_48] : memref<1024xf32, #tpu.memory_space<hbm>> -> memref<16xf32, #tpu.memory_space<hbm>>
      %dma_start3A_181 = tpu.memref_slice %arg2[%mul3A_48] : memref<1024xf32, #tpu.memory_space<hbm>> -> memref<16xf32, #tpu.memory_space<hbm>>
      tpu.enqueue_dma source(%dma_start3A_181 : memref<16xf32, #tpu.memory_space<hbm>>) target(%arg4 : memref<16xf32, #tpu.memory_space<vmem>>) target_semaphore(%run_scoped3A : memref<!tpu.dma_semaphore, #tpu.memory_space<semaphore_mem>>)
      %dma_wait3A = tpu.memref_slice %arg2[%mul3A_48] : memref<1024xf32, #tpu.memory_space<hbm>> -> memref<16xf32, #tpu.memory_space<hbm>>
      %dma_wait3A_182 = tpu.memref_slice %arg2[%mul3A_48] : memref<1024xf32, #tpu.memory_space<hbm>> -> memref<16xf32, #tpu.memory_space<hbm>>
      tpu.wait_dma2 semaphore(%run_scoped3A : memref<!tpu.dma_semaphore, #tpu.memory_space<semaphore_mem>>) src(%dma_wait3A_182 : memref<16xf32, #tpu.memory_space<hbm>>) dst(%arg4 : memref<16xf32, #tpu.memory_space<vmem>>)
      tpu.yield
    }) : () -> ()
    %get3A_49 = arith.constant 0 : index
    %get3A_50 = tpu.vector_load %arg4[%get3A_49] {strides = array<i32>} : memref<16xf32, #tpu.memory_space<vmem>>, vector<16xf32>,
    %get3A_51 = vector.shape_cast %get3A_50 : vector<16xf32> to vector<16xf32>
    %scan3A_52 = arith.constant 0 : i32
    %scan3A_53 = arith.constant 128 : i32
    %scan3A_54 = arith.addi %scan3A_52, %scan3A_53 : i32
    %scan3A_55 = arith.constant 1 : i32
    scf.for %scan3A_181 = %scan3A_52 to %scan3A_54 step %scan3A_55  : i32 {
      %mul3A_182 = arith.constant 16 : i32
      %mul3A_183 = arith.muli %scan3A_181, %mul3A_182 : i32
      %add3A_184 = arith.constant 0 : i32
      %add3A_185 = arith.addi %add3A_184, %mul3A_183 : i32
      %swap3A = arith.constant 1 : i32
      %swap3A_186 = arith.index_cast %swap3A : i32 to index
      %swap3A_187 = arith.index_cast %add3A_185 : i32 to index
      %swap3A_188 = tpu.vector_load %arg5[%swap3A_186, %swap3A_187] {strides = array<i32>} : memref<8x2048xf32, #tpu.memory_space<vmem>>, vector<1x16xf32>,
      %swap3A_189 = vector.shape_cast %swap3A_188 : vector<1x16xf32> to vector<16xf32>
      %swap3A_190 = vector.shape_cast %get3A_51 : vector<16xf32> to vector<1x16xf32>
      tpu.vector_store %arg5[%swap3A_186, %swap3A_187], %swap3A_190 {strides = array<i32>} : memref<8x2048xf32, #tpu.memory_space<vmem>>, vector<1x16xf32>,
    }
    %scan3A_56 = arith.constant 128 : i32
    %mul3A_57 = arith.constant 8 : i32
    %mul3A_58 = arith.muli %select_n3A, %mul3A_57 : i32
    %add3A_59 = arith.constant 2 : i32
    %add3A_60 = arith.addi %mul3A_58, %add3A_59 : i32
    %mul3A_61 = arith.constant 16 : i32
    %mul3A_62 = arith.muli %add3A_60, %mul3A_61 : i32
    "tpu.region"() ({
      %run_scoped3A = tpu.sem_alloc : memref<!tpu.dma_semaphore, #tpu.memory_space<semaphore_mem>>
      %dma_start3A = tpu.memref_slice %arg2[%mul3A_62] : memref<1024xf32, #tpu.memory_space<hbm>> -> memref<16xf32, #tpu.memory_space<hbm>>
      %dma_start3A_181 = tpu.memref_slice %arg2[%mul3A_62] : memref<1024xf32, #tpu.memory_space<hbm>> -> memref<16xf32, #tpu.memory_space<hbm>>
      tpu.enqueue_dma source(%dma_start3A_181 : memref<16xf32, #tpu.memory_space<hbm>>) target(%arg4 : memref<16xf32, #tpu.memory_space<vmem>>) target_semaphore(%run_scoped3A : memref<!tpu.dma_semaphore, #tpu.memory_space<semaphore_mem>>)
      %dma_wait3A = tpu.memref_slice %arg2[%mul3A_62] : memref<1024xf32, #tpu.memory_space<hbm>> -> memref<16xf32, #tpu.memory_space<hbm>>
      %dma_wait3A_182 = tpu.memref_slice %arg2[%mul3A_62] : memref<1024xf32, #tpu.memory_space<hbm>> -> memref<16xf32, #tpu.memory_space<hbm>>
      tpu.wait_dma2 semaphore(%run_scoped3A : memref<!tpu.dma_semaphore, #tpu.memory_space<semaphore_mem>>) src(%dma_wait3A_182 : memref<16xf32, #tpu.memory_space<hbm>>) dst(%arg4 : memref<16xf32, #tpu.memory_space<vmem>>)
      tpu.yield
    }) : () -> ()
    %get3A_63 = arith.constant 0 : index
    %get3A_64 = tpu.vector_load %arg4[%get3A_63] {strides = array<i32>} : memref<16xf32, #tpu.memory_space<vmem>>, vector<16xf32>,
    %get3A_65 = vector.shape_cast %get3A_64 : vector<16xf32> to vector<16xf32>
    %scan3A_66 = arith.constant 0 : i32
    %scan3A_67 = arith.constant 128 : i32
    %scan3A_68 = arith.addi %scan3A_66, %scan3A_67 : i32
    %scan3A_69 = arith.constant 1 : i32
    scf.for %scan3A_181 = %scan3A_66 to %scan3A_68 step %scan3A_69  : i32 {
      %mul3A_182 = arith.constant 16 : i32
      %mul3A_183 = arith.muli %scan3A_181, %mul3A_182 : i32
      %add3A_184 = arith.constant 0 : i32
      %add3A_185 = arith.addi %add3A_184, %mul3A_183 : i32
      %swap3A = arith.constant 2 : i32
      %swap3A_186 = arith.index_cast %swap3A : i32 to index
      %swap3A_187 = arith.index_cast %add3A_185 : i32 to index
      %swap3A_188 = tpu.vector_load %arg5[%swap3A_186, %swap3A_187] {strides = array<i32>} : memref<8x2048xf32, #tpu.memory_space<vmem>>, vector<1x16xf32>,
      %swap3A_189 = vector.shape_cast %swap3A_188 : vector<1x16xf32> to vector<16xf32>
      %swap3A_190 = vector.shape_cast %get3A_65 : vector<16xf32> to vector<1x16xf32>
      tpu.vector_store %arg5[%swap3A_186, %swap3A_187], %swap3A_190 {strides = array<i32>} : memref<8x2048xf32, #tpu.memory_space<vmem>>, vector<1x16xf32>,
    }
    %scan3A_70 = arith.constant 128 : i32
    %mul3A_71 = arith.constant 8 : i32
    %mul3A_72 = arith.muli %select_n3A, %mul3A_71 : i32
    %add3A_73 = arith.constant 3 : i32
    %add3A_74 = arith.addi %mul3A_72, %add3A_73 : i32
    %mul3A_75 = arith.constant 16 : i32
    %mul3A_76 = arith.muli %add3A_74, %mul3A_75 : i32
    "tpu.region"() ({
      %run_scoped3A = tpu.sem_alloc : memref<!tpu.dma_semaphore, #tpu.memory_space<semaphore_mem>>
      %dma_start3A = tpu.memref_slice %arg2[%mul3A_76] : memref<1024xf32, #tpu.memory_space<hbm>> -> memref<16xf32, #tpu.memory_space<hbm>>
      %dma_start3A_181 = tpu.memref_slice %arg2[%mul3A_76] : memref<1024xf32, #tpu.memory_space<hbm>> -> memref<16xf32, #tpu.memory_space<hbm>>
      tpu.enqueue_dma source(%dma_start3A_181 : memref<16xf32, #tpu.memory_space<hbm>>) target(%arg4 : memref<16xf32, #tpu.memory_space<vmem>>) target_semaphore(%run_scoped3A : memref<!tpu.dma_semaphore, #tpu.memory_space<semaphore_mem>>)
      %dma_wait3A = tpu.memref_slice %arg2[%mul3A_76] : memref<1024xf32, #tpu.memory_space<hbm>> -> memref<16xf32, #tpu.memory_space<hbm>>
      %dma_wait3A_182 = tpu.memref_slice %arg2[%mul3A_76] : memref<1024xf32, #tpu.memory_space<hbm>> -> memref<16xf32, #tpu.memory_space<hbm>>
      tpu.wait_dma2 semaphore(%run_scoped3A : memref<!tpu.dma_semaphore, #tpu.memory_space<semaphore_mem>>) src(%dma_wait3A_182 : memref<16xf32, #tpu.memory_space<hbm>>) dst(%arg4 : memref<16xf32, #tpu.memory_space<vmem>>)
      tpu.yield
    }) : () -> ()
    %get3A_77 = arith.constant 0 : index
    %get3A_78 = tpu.vector_load %arg4[%get3A_77] {strides = array<i32>} : memref<16xf32, #tpu.memory_space<vmem>>, vector<16xf32>,
    %get3A_79 = vector.shape_cast %get3A_78 : vector<16xf32> to vector<16xf32>
    %scan3A_80 = arith.constant 0 : i32
    %scan3A_81 = arith.constant 128 : i32
    %scan3A_82 = arith.addi %scan3A_80, %scan3A_81 : i32
    %scan3A_83 = arith.constant 1 : i32
    scf.for %scan3A_181 = %scan3A_80 to %scan3A_82 step %scan3A_83  : i32 {
      %mul3A_182 = arith.constant 16 : i32
      %mul3A_183 = arith.muli %scan3A_181, %mul3A_182 : i32
      %add3A_184 = arith.constant 0 : i32
      %add3A_185 = arith.addi %add3A_184, %mul3A_183 : i32
      %swap3A = arith.constant 3 : i32
      %swap3A_186 = arith.index_cast %swap3A : i32 to index
      %swap3A_187 = arith.index_cast %add3A_185 : i32 to index
      %swap3A_188 = tpu.vector_load %arg5[%swap3A_186, %swap3A_187] {strides = array<i32>} : memref<8x2048xf32, #tpu.memory_space<vmem>>, vector<1x16xf32>,
      %swap3A_189 = vector.shape_cast %swap3A_188 : vector<1x16xf32> to vector<16xf32>
      %swap3A_190 = vector.shape_cast %get3A_79 : vector<16xf32> to vector<1x16xf32>
      tpu.vector_store %arg5[%swap3A_186, %swap3A_187], %swap3A_190 {strides = array<i32>} : memref<8x2048xf32, #tpu.memory_space<vmem>>, vector<1x16xf32>,
    }
    %scan3A_84 = arith.constant 128 : i32
    %mul3A_85 = arith.constant 8 : i32
    %mul3A_86 = arith.muli %select_n3A, %mul3A_85 : i32
    %add3A_87 = arith.constant 4 : i32
    %add3A_88 = arith.addi %mul3A_86, %add3A_87 : i32
    %mul3A_89 = arith.constant 16 : i32
    %mul3A_90 = arith.muli %add3A_88, %mul3A_89 : i32
    "tpu.region"() ({
      %run_scoped3A = tpu.sem_alloc : memref<!tpu.dma_semaphore, #tpu.memory_space<semaphore_mem>>
      %dma_start3A = tpu.memref_slice %arg2[%mul3A_90] : memref<1024xf32, #tpu.memory_space<hbm>> -> memref<16xf32, #tpu.memory_space<hbm>>
      %dma_start3A_181 = tpu.memref_slice %arg2[%mul3A_90] : memref<1024xf32, #tpu.memory_space<hbm>> -> memref<16xf32, #tpu.memory_space<hbm>>
      tpu.enqueue_dma source(%dma_start3A_181 : memref<16xf32, #tpu.memory_space<hbm>>) target(%arg4 : memref<16xf32, #tpu.memory_space<vmem>>) target_semaphore(%run_scoped3A : memref<!tpu.dma_semaphore, #tpu.memory_space<semaphore_mem>>)
      %dma_wait3A = tpu.memref_slice %arg2[%mul3A_90] : memref<1024xf32, #tpu.memory_space<hbm>> -> memref<16xf32, #tpu.memory_space<hbm>>
      %dma_wait3A_182 = tpu.memref_slice %arg2[%mul3A_90] : memref<1024xf32, #tpu.memory_space<hbm>> -> memref<16xf32, #tpu.memory_space<hbm>>
      tpu.wait_dma2 semaphore(%run_scoped3A : memref<!tpu.dma_semaphore, #tpu.memory_space<semaphore_mem>>) src(%dma_wait3A_182 : memref<16xf32, #tpu.memory_space<hbm>>) dst(%arg4 : memref<16xf32, #tpu.memory_space<vmem>>)
      tpu.yield
    }) : () -> ()
    %get3A_91 = arith.constant 0 : index
    %get3A_92 = tpu.vector_load %arg4[%get3A_91] {strides = array<i32>} : memref<16xf32, #tpu.memory_space<vmem>>, vector<16xf32>,
    %get3A_93 = vector.shape_cast %get3A_92 : vector<16xf32> to vector<16xf32>
    %scan3A_94 = arith.constant 0 : i32
    %scan3A_95 = arith.constant 128 : i32
    %scan3A_96 = arith.addi %scan3A_94, %scan3A_95 : i32
    %scan3A_97 = arith.constant 1 : i32
    scf.for %scan3A_181 = %scan3A_94 to %scan3A_96 step %scan3A_97  : i32 {
      %mul3A_182 = arith.constant 16 : i32
      %mul3A_183 = arith.muli %scan3A_181, %mul3A_182 : i32
      %add3A_184 = arith.constant 0 : i32
      %add3A_185 = arith.addi %add3A_184, %mul3A_183 : i32
      %swap3A = arith.constant 4 : i32
      %swap3A_186 = arith.index_cast %swap3A : i32 to index
      %swap3A_187 = arith.index_cast %add3A_185 : i32 to index
      %swap3A_188 = tpu.vector_load %arg5[%swap3A_186, %swap3A_187] {strides = array<i32>} : memref<8x2048xf32, #tpu.memory_space<vmem>>, vector<1x16xf32>,
      %swap3A_189 = vector.shape_cast %swap3A_188 : vector<1x16xf32> to vector<16xf32>
      %swap3A_190 = vector.shape_cast %get3A_93 : vector<16xf32> to vector<1x16xf32>
      tpu.vector_store %arg5[%swap3A_186, %swap3A_187], %swap3A_190 {strides = array<i32>} : memref<8x2048xf32, #tpu.memory_space<vmem>>, vector<1x16xf32>,
    }
    %scan3A_98 = arith.constant 128 : i32
    %mul3A_99 = arith.constant 8 : i32
    %mul3A_100 = arith.muli %select_n3A, %mul3A_99 : i32
    %add3A_101 = arith.constant 5 : i32
    %add3A_102 = arith.addi %mul3A_100, %add3A_101 : i32
    %mul3A_103 = arith.constant 16 : i32
    %mul3A_104 = arith.muli %add3A_102, %mul3A_103 : i32
    "tpu.region"() ({
      %run_scoped3A = tpu.sem_alloc : memref<!tpu.dma_semaphore, #tpu.memory_space<semaphore_mem>>
      %dma_start3A = tpu.memref_slice %arg2[%mul3A_104] : memref<1024xf32, #tpu.memory_space<hbm>> -> memref<16xf32, #tpu.memory_space<hbm>>
      %dma_start3A_181 = tpu.memref_slice %arg2[%mul3A_104] : memref<1024xf32, #tpu.memory_space<hbm>> -> memref<16xf32, #tpu.memory_space<hbm>>
      tpu.enqueue_dma source(%dma_start3A_181 : memref<16xf32, #tpu.memory_space<hbm>>) target(%arg4 : memref<16xf32, #tpu.memory_space<vmem>>) target_semaphore(%run_scoped3A : memref<!tpu.dma_semaphore, #tpu.memory_space<semaphore_mem>>)
      %dma_wait3A = tpu.memref_slice %arg2[%mul3A_104] : memref<1024xf32, #tpu.memory_space<hbm>> -> memref<16xf32, #tpu.memory_space<hbm>>
      %dma_wait3A_182 = tpu.memref_slice %arg2[%mul3A_104] : memref<1024xf32, #tpu.memory_space<hbm>> -> memref<16xf32, #tpu.memory_space<hbm>>
      tpu.wait_dma2 semaphore(%run_scoped3A : memref<!tpu.dma_semaphore, #tpu.memory_space<semaphore_mem>>) src(%dma_wait3A_182 : memref<16xf32, #tpu.memory_space<hbm>>) dst(%arg4 : memref<16xf32, #tpu.memory_space<vmem>>)
      tpu.yield
    }) : () -> ()
    %get3A_105 = arith.constant 0 : index
    %get3A_106 = tpu.vector_load %arg4[%get3A_105] {strides = array<i32>} : memref<16xf32, #tpu.memory_space<vmem>>, vector<16xf32>,
    %get3A_107 = vector.shape_cast %get3A_106 : vector<16xf32> to vector<16xf32>
    %scan3A_108 = arith.constant 0 : i32
    %scan3A_109 = arith.constant 128 : i32
    %scan3A_110 = arith.addi %scan3A_108, %scan3A_109 : i32
    %scan3A_111 = arith.constant 1 : i32
    scf.for %scan3A_181 = %scan3A_108 to %scan3A_110 step %scan3A_111  : i32 {
      %mul3A_182 = arith.constant 16 : i32
      %mul3A_183 = arith.muli %scan3A_181, %mul3A_182 : i32
      %add3A_184 = arith.constant 0 : i32
      %add3A_185 = arith.addi %add3A_184, %mul3A_183 : i32
      %swap3A = arith.constant 5 : i32
      %swap3A_186 = arith.index_cast %swap3A : i32 to index
      %swap3A_187 = arith.index_cast %add3A_185 : i32 to index
      %swap3A_188 = tpu.vector_load %arg5[%swap3A_186, %swap3A_187] {strides = array<i32>} : memref<8x2048xf32, #tpu.memory_space<vmem>>, vector<1x16xf32>,
      %swap3A_189 = vector.shape_cast %swap3A_188 : vector<1x16xf32> to vector<16xf32>
      %swap3A_190 = vector.shape_cast %get3A_107 : vector<16xf32> to vector<1x16xf32>
      tpu.vector_store %arg5[%swap3A_186, %swap3A_187], %swap3A_190 {strides = array<i32>} : memref<8x2048xf32, #tpu.memory_space<vmem>>, vector<1x16xf32>,
    }
    %scan3A_112 = arith.constant 128 : i32
    %mul3A_113 = arith.constant 8 : i32
    %mul3A_114 = arith.muli %select_n3A, %mul3A_113 : i32
    %add3A_115 = arith.constant 6 : i32
    %add3A_116 = arith.addi %mul3A_114, %add3A_115 : i32
    %mul3A_117 = arith.constant 16 : i32
    %mul3A_118 = arith.muli %add3A_116, %mul3A_117 : i32
    "tpu.region"() ({
      %run_scoped3A = tpu.sem_alloc : memref<!tpu.dma_semaphore, #tpu.memory_space<semaphore_mem>>
      %dma_start3A = tpu.memref_slice %arg2[%mul3A_118] : memref<1024xf32, #tpu.memory_space<hbm>> -> memref<16xf32, #tpu.memory_space<hbm>>
      %dma_start3A_181 = tpu.memref_slice %arg2[%mul3A_118] : memref<1024xf32, #tpu.memory_space<hbm>> -> memref<16xf32, #tpu.memory_space<hbm>>
      tpu.enqueue_dma source(%dma_start3A_181 : memref<16xf32, #tpu.memory_space<hbm>>) target(%arg4 : memref<16xf32, #tpu.memory_space<vmem>>) target_semaphore(%run_scoped3A : memref<!tpu.dma_semaphore, #tpu.memory_space<semaphore_mem>>)
      %dma_wait3A = tpu.memref_slice %arg2[%mul3A_118] : memref<1024xf32, #tpu.memory_space<hbm>> -> memref<16xf32, #tpu.memory_space<hbm>>
      %dma_wait3A_182 = tpu.memref_slice %arg2[%mul3A_118] : memref<1024xf32, #tpu.memory_space<hbm>> -> memref<16xf32, #tpu.memory_space<hbm>>
      tpu.wait_dma2 semaphore(%run_scoped3A : memref<!tpu.dma_semaphore, #tpu.memory_space<semaphore_mem>>) src(%dma_wait3A_182 : memref<16xf32, #tpu.memory_space<hbm>>) dst(%arg4 : memref<16xf32, #tpu.memory_space<vmem>>)
      tpu.yield
    }) : () -> ()
    %get3A_119 = arith.constant 0 : index
    %get3A_120 = tpu.vector_load %arg4[%get3A_119] {strides = array<i32>} : memref<16xf32, #tpu.memory_space<vmem>>, vector<16xf32>,
    %get3A_121 = vector.shape_cast %get3A_120 : vector<16xf32> to vector<16xf32>
    %scan3A_122 = arith.constant 0 : i32
    %scan3A_123 = arith.constant 128 : i32
    %scan3A_124 = arith.addi %scan3A_122, %scan3A_123 : i32
    %scan3A_125 = arith.constant 1 : i32
    scf.for %scan3A_181 = %scan3A_122 to %scan3A_124 step %scan3A_125  : i32 {
      %mul3A_182 = arith.constant 16 : i32
      %mul3A_183 = arith.muli %scan3A_181, %mul3A_182 : i32
      %add3A_184 = arith.constant 0 : i32
      %add3A_185 = arith.addi %add3A_184, %mul3A_183 : i32
      %swap3A = arith.constant 6 : i32
      %swap3A_186 = arith.index_cast %swap3A : i32 to index
      %swap3A_187 = arith.index_cast %add3A_185 : i32 to index
      %swap3A_188 = tpu.vector_load %arg5[%swap3A_186, %swap3A_187] {strides = array<i32>} : memref<8x2048xf32, #tpu.memory_space<vmem>>, vector<1x16xf32>,
      %swap3A_189 = vector.shape_cast %swap3A_188 : vector<1x16xf32> to vector<16xf32>
      %swap3A_190 = vector.shape_cast %get3A_121 : vector<16xf32> to vector<1x16xf32>
      tpu.vector_store %arg5[%swap3A_186, %swap3A_187], %swap3A_190 {strides = array<i32>} : memref<8x2048xf32, #tpu.memory_space<vmem>>, vector<1x16xf32>,
    }
    %scan3A_126 = arith.constant 128 : i32
    %mul3A_127 = arith.constant 8 : i32
    %mul3A_128 = arith.muli %select_n3A, %mul3A_127 : i32
    %add3A_129 = arith.constant 7 : i32
    %add3A_130 = arith.addi %mul3A_128, %add3A_129 : i32
    %mul3A_131 = arith.constant 16 : i32
    %mul3A_132 = arith.muli %add3A_130, %mul3A_131 : i32
    "tpu.region"() ({
      %run_scoped3A = tpu.sem_alloc : memref<!tpu.dma_semaphore, #tpu.memory_space<semaphore_mem>>
      %dma_start3A = tpu.memref_slice %arg2[%mul3A_132] : memref<1024xf32, #tpu.memory_space<hbm>> -> memref<16xf32, #tpu.memory_space<hbm>>
      %dma_start3A_181 = tpu.memref_slice %arg2[%mul3A_132] : memref<1024xf32, #tpu.memory_space<hbm>> -> memref<16xf32, #tpu.memory_space<hbm>>
      tpu.enqueue_dma source(%dma_start3A_181 : memref<16xf32, #tpu.memory_space<hbm>>) target(%arg4 : memref<16xf32, #tpu.memory_space<vmem>>) target_semaphore(%run_scoped3A : memref<!tpu.dma_semaphore, #tpu.memory_space<semaphore_mem>>)
      %dma_wait3A = tpu.memref_slice %arg2[%mul3A_132] : memref<1024xf32, #tpu.memory_space<hbm>> -> memref<16xf32, #tpu.memory_space<hbm>>
      %dma_wait3A_182 = tpu.memref_slice %arg2[%mul3A_132] : memref<1024xf32, #tpu.memory_space<hbm>> -> memref<16xf32, #tpu.memory_space<hbm>>
      tpu.wait_dma2 semaphore(%run_scoped3A : memref<!tpu.dma_semaphore, #tpu.memory_space<semaphore_mem>>) src(%dma_wait3A_182 : memref<16xf32, #tpu.memory_space<hbm>>) dst(%arg4 : memref<16xf32, #tpu.memory_space<vmem>>)
      tpu.yield
    }) : () -> ()
    %get3A_133 = arith.constant 0 : index
    %get3A_134 = tpu.vector_load %arg4[%get3A_133] {strides = array<i32>} : memref<16xf32, #tpu.memory_space<vmem>>, vector<16xf32>,
    %get3A_135 = vector.shape_cast %get3A_134 : vector<16xf32> to vector<16xf32>
    %scan3A_136 = arith.constant 0 : i32
    %scan3A_137 = arith.constant 128 : i32
    %scan3A_138 = arith.addi %scan3A_136, %scan3A_137 : i32
    %scan3A_139 = arith.constant 1 : i32
    scf.for %scan3A_181 = %scan3A_136 to %scan3A_138 step %scan3A_139  : i32 {
      %mul3A_182 = arith.constant 16 : i32
      %mul3A_183 = arith.muli %scan3A_181, %mul3A_182 : i32
      %add3A_184 = arith.constant 0 : i32
      %add3A_185 = arith.addi %add3A_184, %mul3A_183 : i32
      %swap3A = arith.constant 7 : i32
      %swap3A_186 = arith.index_cast %swap3A : i32 to index
      %swap3A_187 = arith.index_cast %add3A_185 : i32 to index
      %swap3A_188 = tpu.vector_load %arg5[%swap3A_186, %swap3A_187] {strides = array<i32>} : memref<8x2048xf32, #tpu.memory_space<vmem>>, vector<1x16xf32>,
      %swap3A_189 = vector.shape_cast %swap3A_188 : vector<1x16xf32> to vector<16xf32>
      %swap3A_190 = vector.shape_cast %get3A_135 : vector<16xf32> to vector<1x16xf32>
      tpu.vector_store %arg5[%swap3A_186, %swap3A_187], %swap3A_190 {strides = array<i32>} : memref<8x2048xf32, #tpu.memory_space<vmem>>, vector<1x16xf32>,
    }
    %scan3A_140 = arith.constant 128 : i32
    %mul3A_141 = arith.constant 98 : i32
    %mul3A_142 = arith.muli %select_n3A_30, %mul3A_141 : i32
    %add3A_143 = arith.constant 98 : i32
    %add3A_144 = arith.addi %mul3A_142, %add3A_143 : i32
    %min3A = arith.constant 391 : i32
    %min3A_145 = arith.minsi %add3A_144, %min3A : i32
    %sub3A_146 = arith.subi %min3A_145, %mul3A_142 : i32
    %sub3A_147 = arith.constant 1 : i32
    %sub3A_148 = arith.constant 1 : i32
    %sub3A_149 = arith.subi %sub3A_147, %sub3A_148 : i32
    %add3A_150 = arith.addi %sub3A_146, %sub3A_149 : i32
    %div3A_151 = arith.constant 1 : i32
    %div3A_152 = arith.divsi %add3A_150, %div3A_151 : i32
    %while3A = arith.constant 1 : i32
    %while3A_153 = arith.constant 0 : i32
    %while3A_154 = arith.subi %div3A_152, %while3A_153 : i32
    %while3A_155 = arith.addi %while3A_153, %while3A_154 : i32
    %while3A_156 = arith.constant 1 : i32
    %while3A_157 = arith.divsi %while3A_154, %while3A_156 : i32
    %while3A_158 = arith.muli %while3A_157, %while3A_156 : i32
    %while3A_159 = arith.addi %while3A_153, %while3A_158 : i32
    %while3A_160 = arith.constant 1 : i32
    scf.for %while3A_181 = %while3A_153 to %while3A_159 step %while3A_160  : i32 {
      %mul3A_182 = arith.muli %while3A_181, %while3A : i32
      %add3A_183 = arith.addi %mul3A_142, %mul3A_182 : i32
      %mul3A_184 = arith.constant 2048 : i32
      %mul3A_185 = arith.muli %add3A_183, %mul3A_184 : i32
      %min3A_186 = arith.constant 797952 : i32
      %min3A_187 = arith.minsi %mul3A_185, %min3A_186 : i32
      %mul3A_188 = arith.constant 8 : i32
      %mul3A_189 = arith.muli %select_n3A, %mul3A_188 : i32
      %dma_start3A = tpu.memref_slice %arg3[%mul3A_189, %min3A_187] : memref<64x800000xf32, #tpu.memory_space<hbm>> -> memref<8x2048xf32, #tpu.memory_space<hbm>>
      %dma_start3A_190 = tpu.memref_slice %arg3[%mul3A_189, %min3A_187] : memref<64x800000xf32, #tpu.memory_space<hbm>> -> memref<8x2048xf32, #tpu.memory_space<hbm>>
      tpu.enqueue_dma source(%arg5 : memref<8x2048xf32, #tpu.memory_space<vmem>>) target(%dma_start3A_190 : memref<8x2048xf32, #tpu.memory_space<hbm>>) target_semaphore(%arg6 : memref<!tpu.dma_semaphore, #tpu.memory_space<semaphore_mem>>)
      %add3A_191 = arith.constant 8 : i32
      %add3A_192 = arith.addi %mul3A_142, %add3A_191 : i32
      %ge3A = arith.cmpi sge, %add3A_183, %add3A_192 : i32
      %convert_element_type3A = arith.extui %ge3A : i1 to i32
      %cond3A = arith.constant 0 : i32
      %cond3A_193 = arith.cmpi ne, %convert_element_type3A, %cond3A : i32
      scf.if %cond3A_193 {
        %sub3A_194 = arith.constant 8 : i32
        %sub3A_195 = arith.subi %add3A_183, %sub3A_194 : i32
        %mul3A_196 = arith.constant 2048 : i32
        %mul3A_197 = arith.muli %sub3A_195, %mul3A_196 : i32
        %min3A_198 = arith.constant 797952 : i32
        %min3A_199 = arith.minsi %mul3A_197, %min3A_198 : i32
        %mul3A_200 = arith.constant 8 : i32
        %mul3A_201 = arith.muli %select_n3A, %mul3A_200 : i32
        %dma_wait3A = tpu.memref_slice %arg3[%mul3A_201, %min3A_199] : memref<64x800000xf32, #tpu.memory_space<hbm>> -> memref<8x2048xf32, #tpu.memory_space<hbm>>
        %dma_wait3A_202 = tpu.memref_slice %arg3[%mul3A_201, %min3A_199] : memref<64x800000xf32, #tpu.memory_space<hbm>> -> memref<8x2048xf32, #tpu.memory_space<hbm>>
        tpu.wait_dma2 semaphore(%arg6 : memref<!tpu.dma_semaphore, #tpu.memory_space<semaphore_mem>>) src(%arg5 : memref<8x2048xf32, #tpu.memory_space<vmem>>) dst(%dma_wait3A_202 : memref<8x2048xf32, #tpu.memory_space<hbm>>)
      } else {
      }
    }
    %while3A_161 = arith.constant 1 : i32
    scf.for %while3A_181 = %while3A_159 to %while3A_155 step %while3A_161  : i32 {
      %mul3A_182 = arith.muli %while3A_181, %while3A : i32
      %add3A_183 = arith.addi %mul3A_142, %mul3A_182 : i32
      %mul3A_184 = arith.constant 2048 : i32
      %mul3A_185 = arith.muli %add3A_183, %mul3A_184 : i32
      %min3A_186 = arith.constant 797952 : i32
      %min3A_187 = arith.minsi %mul3A_185, %min3A_186 : i32
      %mul3A_188 = arith.constant 8 : i32
      %mul3A_189 = arith.muli %select_n3A, %mul3A_188 : i32
      %dma_start3A = tpu.memref_slice %arg3[%mul3A_189, %min3A_187] : memref<64x800000xf32, #tpu.memory_space<hbm>> -> memref<8x2048xf32, #tpu.memory_space<hbm>>
      %dma_start3A_190 = tpu.memref_slice %arg3[%mul3A_189, %min3A_187] : memref<64x800000xf32, #tpu.memory_space<hbm>> -> memref<8x2048xf32, #tpu.memory_space<hbm>>
      tpu.enqueue_dma source(%arg5 : memref<8x2048xf32, #tpu.memory_space<vmem>>) target(%dma_start3A_190 : memref<8x2048xf32, #tpu.memory_space<hbm>>) target_semaphore(%arg6 : memref<!tpu.dma_semaphore, #tpu.memory_space<semaphore_mem>>)
      %add3A_191 = arith.constant 8 : i32
      %add3A_192 = arith.addi %mul3A_142, %add3A_191 : i32
      %ge3A = arith.cmpi sge, %add3A_183, %add3A_192 : i32
      %convert_element_type3A = arith.extui %ge3A : i1 to i32
      %cond3A = arith.constant 0 : i32
      %cond3A_193 = arith.cmpi ne, %convert_element_type3A, %cond3A : i32
      scf.if %cond3A_193 {
        %sub3A_194 = arith.constant 8 : i32
        %sub3A_195 = arith.subi %add3A_183, %sub3A_194 : i32
        %mul3A_196 = arith.constant 2048 : i32
        %mul3A_197 = arith.muli %sub3A_195, %mul3A_196 : i32
        %min3A_198 = arith.constant 797952 : i32
        %min3A_199 = arith.minsi %mul3A_197, %min3A_198 : i32
        %mul3A_200 = arith.constant 8 : i32
        %mul3A_201 = arith.muli %select_n3A, %mul3A_200 : i32
        %dma_wait3A = tpu.memref_slice %arg3[%mul3A_201, %min3A_199] : memref<64x800000xf32, #tpu.memory_space<hbm>> -> memref<8x2048xf32, #tpu.memory_space<hbm>>
        %dma_wait3A_202 = tpu.memref_slice %arg3[%mul3A_201, %min3A_199] : memref<64x800000xf32, #tpu.memory_space<hbm>> -> memref<8x2048xf32, #tpu.memory_space<hbm>>
        tpu.wait_dma2 semaphore(%arg6 : memref<!tpu.dma_semaphore, #tpu.memory_space<semaphore_mem>>) src(%arg5 : memref<8x2048xf32, #tpu.memory_space<vmem>>) dst(%dma_wait3A_202 : memref<8x2048xf32, #tpu.memory_space<hbm>>)
      } else {
      }
    }
    %sub3A_162 = arith.constant 8 : i32
    %sub3A_163 = arith.subi %min3A_145, %sub3A_162 : i32
    %max3A = arith.maxsi %sub3A_163, %mul3A_142 : i32
    %sub3A_164 = arith.subi %min3A_145, %max3A : i32
    %sub3A_165 = arith.constant 1 : i32
    %sub3A_166 = arith.constant 1 : i32
    %sub3A_167 = arith.subi %sub3A_165, %sub3A_166 : i32
    %add3A_168 = arith.addi %sub3A_164, %sub3A_167 : i32
    %div3A_169 = arith.constant 1 : i32
    %div3A_170 = arith.divsi %add3A_168, %div3A_169 : i32
    %while3A_171 = arith.constant 1 : i32
    %while3A_172 = arith.constant 0 : i32
    %while3A_173 = arith.subi %div3A_170, %while3A_172 : i32
    %while3A_174 = arith.addi %while3A_172, %while3A_173 : i32
    %while3A_175 = arith.constant 1 : i32
    %while3A_176 = arith.divsi %while3A_173, %while3A_175 : i32
    %while3A_177 = arith.muli %while3A_176, %while3A_175 : i32
    %while3A_178 = arith.addi %while3A_172, %while3A_177 : i32
    %while3A_179 = arith.constant 1 : i32
    scf.for %while3A_181 = %while3A_172 to %while3A_178 step %while3A_179  : i32 {
      %mul3A_182 = arith.muli %while3A_181, %while3A_171 : i32
      %add3A_183 = arith.addi %max3A, %mul3A_182 : i32
      %mul3A_184 = arith.constant 2048 : i32
      %mul3A_185 = arith.muli %add3A_183, %mul3A_184 : i32
      %min3A_186 = arith.constant 797952 : i32
      %min3A_187 = arith.minsi %mul3A_185, %min3A_186 : i32
      %mul3A_188 = arith.constant 8 : i32
      %mul3A_189 = arith.muli %select_n3A, %mul3A_188 : i32
      %dma_wait3A = tpu.memref_slice %arg3[%mul3A_189, %min3A_187] : memref<64x800000xf32, #tpu.memory_space<hbm>> -> memref<8x2048xf32, #tpu.memory_space<hbm>>
      %dma_wait3A_190 = tpu.memref_slice %arg3[%mul3A_189, %min3A_187] : memref<64x800000xf32, #tpu.memory_space<hbm>> -> memref<8x2048xf32, #tpu.memory_space<hbm>>
      tpu.wait_dma2 semaphore(%arg6 : memref<!tpu.dma_semaphore, #tpu.memory_space<semaphore_mem>>) src(%arg5 : memref<8x2048xf32, #tpu.memory_space<vmem>>) dst(%dma_wait3A_190 : memref<8x2048xf32, #tpu.memory_space<hbm>>)
    }
    %while3A_180 = arith.constant 1 : i32
    scf.for %while3A_181 = %while3A_178 to %while3A_174 step %while3A_180  : i32 {
      %mul3A_182 = arith.muli %while3A_181, %while3A_171 : i32
      %add3A_183 = arith.addi %max3A, %mul3A_182 : i32
      %mul3A_184 = arith.constant 2048 : i32
      %mul3A_185 = arith.muli %add3A_183, %mul3A_184 : i32
      %min3A_186 = arith.constant 797952 : i32
      %min3A_187 = arith.minsi %mul3A_185, %min3A_186 : i32
      %mul3A_188 = arith.constant 8 : i32
      %mul3A_189 = arith.muli %select_n3A, %mul3A_188 : i32
      %dma_wait3A = tpu.memref_slice %arg3[%mul3A_189, %min3A_187] : memref<64x800000xf32, #tpu.memory_space<hbm>> -> memref<8x2048xf32, #tpu.memory_space<hbm>>
      %dma_wait3A_190 = tpu.memref_slice %arg3[%mul3A_189, %min3A_187] : memref<64x800000xf32, #tpu.memory_space<hbm>> -> memref<8x2048xf32, #tpu.memory_space<hbm>>
      tpu.wait_dma2 semaphore(%arg6 : memref<!tpu.dma_semaphore, #tpu.memory_space<semaphore_mem>>) src(%arg5 : memref<8x2048xf32, #tpu.memory_space<vmem>>) dst(%dma_wait3A_190 : memref<8x2048xf32, #tpu.memory_space<hbm>>)
    }
    return
  }
}

</mosaic_0001>

<sc_bundles>
// kernel: kernel.3.cloned.1.call-start
scs
__scs_entry_jumppad:
0x0: {  	(pc) =	sbr.rel $0x88, $3  }
0x1: {  	(tag) =	ssettag $0x0;
	lr =	simm.s32 $0x1  }
0x2: {  	[smem:$0x3FA0] =	sst lr;
	_ =	strace $0xD0000000  }
0x3: {  	_ = 	snop  }
0x4: {  	_ = 	snop  }
0x5: {  	_ = 	snop  }
0x6: {  	_ = 	snop  }
0x7: {  	_ = 	snop  }
__scs_overlays_trampoline_lowered:
0x8: {  	[smem:$0x3FAF] =	sst s0  }
0x9: {  	[smem:$0x3FB0] =	sst s1  }
0xa: {  	[smem:$0x3FB1] =	sst s2  }
0xb: {  	[smem:$0x3FB2] =	sst s3  }
0xc: {  	[smem:$0x3FB3] =	sst s4  }
0xd: {  	[smem:$0x3FB4] =	sst s5  }
0xe: {  	[smem:$0x3FB5] =	sst s6  }
0xf: {  	[smem:$0x3FB6] =	sst s7  }
0x10: {  	[smem:$0x3FB7] =	sst s8  }
0x11: {  	[smem:$0x3FB8] =	sst s9;
	s0 =	simm.s32 @!p0 $0x0  }
0x12: {  	s1 =	sld [smem:$0x3F9E];
	s0 =	simm.s32 @p0 $0x1  }
0x13: {  	[smem:$0x3FB9] =	sst s0;
	s0 =	simm.s32 @!p1 $0x0  }
0x14: {  	s2 =	sld [smem:$0x3F9D];
	s0 =	simm.s32 @p1 $0x1  }
0x15: {  	[smem:$0x3FBA] =	sst s0;
	s0 =	simm.s32 @!p2 $0x0  }
0x16: {  	s3 =	sld [smem:$0x3FDB];
	s0 =	simm.s32 @p2 $0x1  }
0x17: {  	s4 =	simm.s32 $0x1BF5;
	[smem:$0x3FBC] =	sst s0  }
0x18: {  	s0 =	sld [smem:$0x3F9F];
	_ =	swait.ge [sflag:s4], $0x0  }
0x19: {  	s7 =	sld [smem:$0x3FA0]  }
0x1a: {  	s8 =	sadd.s32 $0xFFFFE003, lr  }
0x1b: {  	s9 =	sadd.s32 $0xFFFFFEF7, lr;
	s5 =	simm.s32 $0xFFFFFFFF;
	p2 =	slt.u32 s8, $0xFFFFF086  }
0x1c: {  	p1 =	slt.u32 s9, $0xF7A;
	s5 =	simm.s32 @!p2 $0x0  }
0x1d: {  	s5 =	simm.s32 @p1 $0x1;
	p0 =	seq.s32 s7, s2  }
0x1e: {  	s7 =	smul.u32 @!p0 $0xF7A, s2;
	p2 =	seq.s32 @!p0 s5, $0x0  }
0x1f: {  	s9 =	smul.u32 $0xF7A, s1;
	s8 =	simm.s32 @!p0 $0x1BF5;
	p2 =	por !p2, p0  }
0x20: {  	[sflag:s8] =	ssyncset.s32 @!p0 $0xFFFFF086;
	s6 =	sadd.s32 @!p0 s3, s7;
	s7 =	simm.s32 @!p0 $0x108  }
0x21: {  	s3 =	sadd.s32 s3, s9;
	s6 =	sadd.s32 @!p0 $0x88, s6;
	s7 =	simm.s32 @p2 $0x1082  }
0x22: {  	[simem:s7], [sflag:s8] =	dma.local @!p0 [hbm:s6], $0xF7A  }
0x23: {  	s9 =	sor.u32 $0xD0000000, s2;
	s6 =	simm.s32 $0x108;
	_ =	swait.ge @!p0 [sflag:s8], $0x0  }
0x24: {  	s3 =	sadd.s32 $0x88, s3;
	s6 =	simm.s32 @!p1 $0x1082;
	[sflag:s4] =	ssyncset.s32 $0xFFFFF086  }
0x25: {  	[simem:s6], [sflag:s4] =	dma.local [hbm:s3], $0xF7A  }
0x26: {  	[smem:$0x3FA0] =	sst s1;
	(tag) =	ssettag s2;
	_ =	strace s9  }
0x27: {  	s1 =	sld [smem:$0x3FB0]  }
0x28: {  	s2 =	sld [smem:$0x3FB1]  }
0x29: {  	s4 =	sld [smem:$0x3FB3]  }
0x2a: {  	p0 =	seq.s32 s5, $0x0;
	s5 =	sld [smem:$0x3FB4]  }
0x2b: {  	s6 =	sld [smem:$0x3FB5]  }
0x2c: {  	s7 =	sld [smem:$0x3FB6]  }
0x2d: {  	s3 =	simm.s32 $0x108;
	s8 =	sld [smem:$0x3FB7]  }
0x2e: {  	s3 =	simm.s32 @!p0 $0x1082;
	s9 =	sld [smem:$0x3FB8]  }
0x2f: {  	lr =	sadd.s32 s0, s3;
	s0 =	sld [smem:$0x3FAF]  }
0x30: {  	s3 =	sld [smem:$0x3FB2]  }
0x31: {  	[smem:$0x3FBB] =	sst s10  }
0x32: {  	s10 =	sld [smem:$0x3FB9];
	_ =	sdelay $0x3  }
0x33: {  	p0 =	seq.s32 s10, $0x1;
	s10 =	sld [smem:$0x3FBB];
	_ =	sdelay $0x3  }
0x34: {  	[smem:$0x3FBB] =	sst s10  }
0x35: {  	s10 =	sld [smem:$0x3FBA];
	_ =	sdelay $0x3  }
0x36: {  	p1 =	seq.s32 s10, $0x1;
	s10 =	sld [smem:$0x3FBB];
	_ =	sdelay $0x3  }
0x37: {  	[smem:$0x3FBB] =	sst s10  }
0x38: {  	s10 =	sld [smem:$0x3FBC]  }
0x39: {  	_ = 	snop;
	(pc) =	sbr.ind lr, $3  }
0x3a: {  	_ = 	snop  }
0x3b: {  	_ = 	snop  }
0x3c: {  	p2 =	seq.s32 s10, $0x1;
	s10 =	sld [smem:$0x3FBB]  }
0x3d: {  	_ =	shalt  }
0x3e: {  	_ =	shalt  }
0x3f: {  	_ =	shalt  }
0x40: {  	_ =	shalt  }
0x41: {  	_ =	shalt  }
0x42: {  	_ =	shalt  }
0x43: {  	_ =	shalt  }
0x44: {  	_ =	shalt  }
0x45: {  	_ =	shalt  }
0x46: {  	_ =	shalt  }
0x47: {  	_ =	shalt  }
0x48: {  	_ =	shalt  }
0x49: {  	_ =	shalt  }
0x4a: {  	_ =	shalt  }
0x4b: {  	_ =	shalt  }
0x4c: {  	_ =	shalt  }
0x4d: {  	_ =	shalt  }
0x4e: {  	_ =	shalt  }
0x4f: {  	_ =	shalt  }
0x50: {  	_ =	shalt  }
0x51: {  	_ =	shalt  }
0x52: {  	_ =	shalt  }
0x53: {  	_ =	shalt  }
0x54: {  	_ =	shalt  }
0x55: {  	_ =	shalt  }
0x56: {  	_ =	shalt  }
0x57: {  	_ =	shalt  }
0x58: {  	_ =	shalt  }
0x59: {  	_ =	shalt  }
0x5a: {  	_ =	shalt  }
0x5b: {  	_ =	shalt  }
0x5c: {  	_ =	shalt  }
0x5d: {  	_ =	shalt  }
0x5e: {  	_ =	shalt  }
0x5f: {  	_ =	shalt  }
0x60: {  	_ =	shalt  }
0x61: {  	_ =	shalt  }
0x62: {  	_ =	shalt  }
0x63: {  	_ =	shalt  }
0x64: {  	_ =	shalt  }
0x65: {  	_ =	shalt  }
0x66: {  	_ =	shalt  }
0x67: {  	_ =	shalt  }
0x68: {  	_ =	shalt  }
0x69: {  	_ =	shalt  }
0x6a: {  	_ =	shalt  }
0x6b: {  	_ =	shalt  }
0x6c: {  	_ =	shalt  }
0x6d: {  	_ =	shalt  }
0x6e: {  	_ =	shalt  }
0x6f: {  	_ =	shalt  }
0x70: {  	_ =	shalt  }
0x71: {  	_ =	shalt  }
0x72: {  	_ =	shalt  }
0x73: {  	_ =	shalt  }
0x74: {  	_ =	shalt  }
0x75: {  	_ =	shalt  }
0x76: {  	_ =	shalt  }
0x77: {  	_ =	shalt  }
0x78: {  	_ =	shalt  }
0x79: {  	_ =	shalt  }
0x7a: {  	_ =	shalt  }
0x7b: {  	_ =	shalt  }
0x7c: {  	_ =	shalt  }
0x7d: {  	_ =	shalt  }
0x7e: {  	_ =	shalt  }
0x7f: {  	_ =	shalt  }
0x80: {  	_ =	shalt  }
0x81: {  	_ =	shalt  }
0x82: {  	_ =	shalt  }
0x83: {  	_ =	shalt  }
0x84: {  	_ =	shalt  }
0x85: {  	_ =	shalt  }
0x86: {  	_ =	shalt  }
0x87: {  	_ =	shalt  }
.Lfunc_end0:
.L_simem_size_0:
called_computation_lowered:
.L_overlay_start_0:
0x88: {  	s2 =	sld [smem:$0x3FD9]  }
0x89: {  	s3 =	sld [smem:$0x3FFE];
	_ =	sdelay $0x1  }
0x8a: {  	s1 =	srdreg.scid  }
0x8b: {  	s0 =	sand.u32 $0x1, s1  }
0x8c: {  	s17 =	sshll.u32 s0, $0xA;
	s2 =	sadd.s32 s3, s2  }
0x8d: {  	s2 =	sadd.s32 s2, s17  }
0x8e: {  	[smem:$0x3FC7] =	sst s2  }
0x8f: {  	_ = 	snop  }
0x90: {  	s2 =	sld [smem:$0x3FD0];
	(tm) =	ssettm $0x1  }
0x91: {  	s18 =	sld [smem:$0x3FFB];
	_ =	sdelay $0x3  }
0x92: {  	_ =	strace s18  }
0x93: {  	s3 =	sld [smem:$0x3FFC];
	_ =	sdelay $0x3  }
0x94: {  	_ =	strace s3  }
0x95: {  	s3 =	sld [smem:$0x3FFD];
	_ =	sdelay $0x3  }
0x96: {  	_ =	strace s3  }
0x97: {  	_ =	strace $0x8FFFFFFF  }
0x98: {  	s19 =	sld [smem:$0x3FDB];
	_ =	sdelay $0x1  }
0x99: {  	s4 =	simm.s32 $_scs_section_size  }
0x9a: {  	s5 =	simm.s32 $_size__tile_overlayer_lowered;
	s6 =	simm.s32 $_tile_overlayer_lowered  }
0x9b: {  	s22 =	simm.s32 $0x1BFF;
	s21 =	sshll.u32 s6, $0x1;
	s3 =	sadd.s32 s4, s19  }
0x9c: {  	s7 =	simm.s32 $0x0;
	s20 =	sshll.u32 s5, $0x1;
	s5 =	sadd.s32 s21, s3  }
0x9d: {  	[timem:s7], [sflag:s22] =	dma.local [hbm:s5], s20  }
0x9e: {  	_ =	swait.ge [sflag:s22], s20  }
0x9f: {  	s4 =	ssub.s32 $0x0, s20;
	[sflag:s22] =	ssyncset.done $0x0  }
0xa0: {  	[sflag:s22] =	ssyncadd.s32 s4;
	_ =	sdelay $0x1  }
0xa1: {  	s23 =	simm.s32 $0x1B8B  }
0xa2: {  	_ =	swait.ge [sflag:s23], $0x1  }
0xa3: {  	[sflag:s23] =	ssyncset.done $0x0  }
0xa4: {  	s25 =	simm.s32 $0x1B8E;
	s24 =	sld [smem:$0x3FFE];
	[sflag:s23] =	ssyncadd.s32 $0xFFFFFFFF  }
0xa5: {  	s26 =	simm.s32 $execute0_lowered;
	[smem:$0x3FD2] =	sst s25  }
0xa6: {  	s5 =	sshll.u32 s26, $0x1;
	_ =	strace $0x80000046;
	[dreg:$0x1] =	wrdreg $0xFFFFFFFF  }
0xa7: {  	s28 =	simm.s32 $_size_execute0_lowered;
	s3 =	sadd.s32 s3, s5;
	[dreg:$0x0] =	wrdreg $0x0  }
0xa8: {  	s5 =	sshll.u32 s28, $0x1;
	[dreg:$0x2] =	wrdreg s3  }
0xa9: {  	[dreg:$0x3] =	wrdreg s5  }
0xaa: {  	[dreg:$0x4] =	wrdreg $0xC0  }
0xab: {  	_ =	task [dreg:s7], $0x5FFFF  }
0xac: {  	[dreg:$0x1] =	wrdreg $0xFFFFFFFF  }
0xad: {  	[dreg:$0x0] =	wrdreg $0x60  }
0xae: {  	[dreg:$0x2] =	wrdreg s24  }
0xaf: {  	[dreg:$0x3] =	wrdreg s2  }
0xb0: {  	[dreg:$0x4] =	wrdreg $0x9  }
0xb1: {  	_ =	task.clear_ibuf [dreg:s7], $0x5FFFF;
	_ =	strace $0x90000046  }
0xb2: {  	s29 =	simm.s32 $0x9;
	_ =	strace $0x80000048  }
0xb3: {  	_ =	swait.ge [sflag:s29], $0x1  }
0xb4: {  	[sflag:s29] =	ssyncadd.s32 $0xFFFFFFFF  }
0xb5: {  	_ =	strace $0x90000048  }
0xb6: {  	_ =	sfence  }
0xb7: {  	s30 =	sld [smem:$0x0];
	_ =	sdelay $0x2  }
0xb8: {  	s31 =	sshll.u32 s1, $0xD;
	s1 =	sshrl.u32 s1, $0x2  }
0xb9: {  	s3 =	sand.u32 $0x4000, s31;
	s1 =	sadd.s32 s1, s30  }
0xba: {  	s0 =	sor.u32 s3, s0;
	s1 =	sshll.u32 s1, $0x11  }
0xbb: {  	s0 =	sor.u32 s1, s0  }
0xbc: {  	s0 =	sadd.s32 $0x8F2B, s0  }
0xbd: {  	[sflag:s0] =	ssyncadd.remote.s32 $0x1  }
0xbe: {  	_ =	sfence.sel $0xFFFF  }
0xbf: {  	[dreg:$0x0] =	wrdreg $0xFFFFFFFF;
	(pc) =	sbr.abs _section_cstart, $3  }
0xc0: {  	[dreg:$0x1] =	wrdreg $0xFFFFFFFF  }
0xc1: {  	_ =	task.clear_ibuf [dreg:s7], $0x2FFFF;
	_ =	strace $0x9FFFFFFF  }
0xc2: {  	(tm) =	ssettm $0x7FFFFFFF  }
0xc3: {  	_ =	shalt  }
tec
execute0_lowered:
.L_overlay_start_1:
0x0: {  	(tag) =	ssettag $0x1  }
0x1: {  	s3 =	rddreg [dreg:$0x0]  }
0x2: {  	s12 =	rddreg [dreg:$0x1]  }
0x3: {  	s0 =	rddreg [dreg:$0x2];
	s2 =	simm.s32 $0x0;
	s1 =	stileid.u32  }
0x4: {  	s4 =	srdreg.scid;
	[smem:$0x7FF] =	sst s2;
	s10 =	sshrl.u32 s1, $0x1  }
0x5: {  	s11 =	sand.u32 $0x1, s4;
	s6 =	sshll.u32 s1, $0x1;
	s17 =	sand.u32 $0x1, s1  }
0x6: {  	_ =	strace $0x80000047;
	s28 =	sshll.u32 s10, $0x4;
	s16 =	smul.u32 $0xC3500, s10  }
0x7: {  	s5 =	ssub.s32 $0x2, s11;
	s30 =	sand.u32 $0x2, s6;
	s17 =	smul.u32 $0x62000, s17  }
0x8: {  	s19 =	smul.u32 $0x31000, s11;
	s13 =	sadd.s32 s28, s3;
	s29 =	sshrl.u32 s5, $0x1  }
0x9: {  	s9 =	sor.u32 s11, s30;
	s14 =	ssub.s32 s5, s29;
	s3 =	sadd.s32 $0x400, s13  }
0xa: {  	s4 =	sadd.s32 $0x402, s13;
	s5 =	sadd.s32 $0x404, s13;
	s6 =	sadd.s32 $0x406, s13  }
0xb: {  	s7 =	sadd.s32 $0x408, s13;
	s8 =	sadd.s32 $0x40A, s13;
	s15 =	smul.u32 $0x62, s9  }
0xc: {  	s9 =	sadd.s32 $0x40C, s13;
	s10 =	sadd.s32 $0x40E, s13;
	s12 =	sadd.s32 s12, s16  }
.Ltmp0:
0xd: {  	s16 =	simm.s32 $0x2;
	s31 =	smin.u32 s15, $0x125;
	(pc) =	sbr.rel .LBB2_1-.Ltmp0, $4  }
0xe: {  	s14 =	smax.u32 s14, $0x1;
	s18 =	sadd.s32 $0x62, s31;
	s13 =	sadd.s32 $0x5A, s31  }
0xf: {  	s11 =	ssub.s32 s18, s15;
	s13 =	smax.u32 s13, s15;
	s15 =	sadd.s32 s19, s17  }
0x10: {  	s17 =	simm.s32 $0x80;
	s19 =	simm.s32 $0x0;
	s13 =	ssub.s32 s18, s13  }
0x11: {  	p0 =	slt.s32 s11, $0x1;
	s18 =	simm.s32 $0x1;
	p1 =	slt.s32 s13, $0x1  }
.LBB2_27:
0x12: {  	[sflag:s18] =	ssyncadd.s32 $0xFFFFC000  }
.LBB2_28:
0x13: {  	s19 =	sadd.s32 $0x1, s19  }
0x14: {  	p2 =	sne.s32 s19, s14  }
.Ltmp1:
0x15: {  	_ = 	snop;
	(pc) =	sbr.rel @!p2 .LBB2_29-.Ltmp1, $1  }
0x16: {  	_ =	sdelay $0x3  }
.LBB2_1:
0x17: {  	[tilespmem:s2], [sflag:$0x2] =	stream.linear.gather [hbm4b:s3+s2], $0x10, $0x38;
	[tilespmem:$0x4080] =	vst v63  }
0x18: {  	_ =	swait.ge [sflag:s16], $0x10  }
0x19: {  	[sflag:s16] =	ssyncset.done $0x0  }
0x1a: {  	[sflag:s16] =	ssyncadd.s32 $0xFFFFFFF0  }
0x1b: {  	v0 =	vld [tilespmem:$0x0];
	_ =	sdelay $0x2  }
0x1c: {  	s20 =	sand.u32 $0x70, s2;
	s21 =	sand.u32 $0x3C00, s2  }
0x1d: {  	s21 =	sor.u32 s20, s21  }
0x1e: {  	s20 =	simm.s32 $0x10;
	[tilespmem:s21+$0x80] =	vst v0;
	s21 =	simm.s32 $0x0  }
.LBB2_2:
0x1f: {  	p2 =	sne.s32 s20, $0x7F0  }
.Ltmp2:
0x20: {  	_ = 	snop;
	(pc) =	sbr.rel @p2 .LBB2_2-.Ltmp2, $4  }
0x21: {  	s21 =	sadd.s32 $0x80, s21  }
0x22: {  	s22 =	sand.u32 $0x70, s20;
	s23 =	sand.u32 $0x3C00, s21  }
0x23: {  	s22 =	sor.u32 s22, s23  }
0x24: {  	s20 =	sadd.s32 $0x10, s20;
	[tilespmem:s22+$0x80] =	vst v0  }
0x25: {  	s20 =	simm.s32 $0x0  }
0x26: {  	[tilespmem:s20], [sflag:$0x2] =	stream.linear.gather [hbm4b:s4+s20], $0x10, $0x38;
	[tilespmem:$0x4080] =	vst v63  }
0x27: {  	_ =	swait.ge [sflag:s16], $0x10  }
0x28: {  	[sflag:s16] =	ssyncset.done $0x0  }
0x29: {  	[sflag:s16] =	ssyncadd.s32 $0xFFFFFFF0  }
0x2a: {  	v0 =	vld [tilespmem:$0x0];
	_ =	sdelay $0x2  }
0x2b: {  	s21 =	sand.u32 $0x70, s20;
	s22 =	sand.u32 $0x3C00, s20  }
0x2c: {  	s22 =	sor.u32 s21, s22  }
0x2d: {  	s21 =	simm.s32 $0x10;
	[tilespmem:s22+$0x100] =	vst v0  }
.LBB2_4:
0x2e: {  	p2 =	sne.s32 s21, $0x7F0  }
.Ltmp3:
0x2f: {  	_ = 	snop;
	(pc) =	sbr.rel @p2 .LBB2_4-.Ltmp3, $4  }
0x30: {  	s20 =	sadd.s32 $0x80, s20  }
0x31: {  	s22 =	sand.u32 $0x70, s21;
	s23 =	sand.u32 $0x3C00, s20  }
0x32: {  	s22 =	sor.u32 s22, s23  }
0x33: {  	s21 =	sadd.s32 $0x10, s21;
	[tilespmem:s22+$0x100] =	vst v0  }
0x34: {  	s20 =	simm.s32 $0x0  }
0x35: {  	[tilespmem:s20], [sflag:$0x2] =	stream.linear.gather [hbm4b:s5+s20], $0x10, $0x38;
	[tilespmem:$0x4080] =	vst v63  }
0x36: {  	_ =	swait.ge [sflag:s16], $0x10  }
0x37: {  	[sflag:s16] =	ssyncset.done $0x0  }
0x38: {  	[sflag:s16] =	ssyncadd.s32 $0xFFFFFFF0  }
0x39: {  	v0 =	vld [tilespmem:$0x0];
	_ =	sdelay $0x2  }
0x3a: {  	s21 =	sand.u32 $0x70, s20;
	s22 =	sand.u32 $0x3C00, s20  }
0x3b: {  	s22 =	sor.u32 s21, s22  }
0x3c: {  	s21 =	simm.s32 $0x10;
	[tilespmem:s22+$0x180] =	vst v0  }
.LBB2_6:
0x3d: {  	p2 =	sne.s32 s21, $0x7F0  }
.Ltmp4:
0x3e: {  	_ = 	snop;
	(pc) =	sbr.rel @p2 .LBB2_6-.Ltmp4, $4  }
0x3f: {  	s20 =	sadd.s32 $0x80, s20  }
0x40: {  	s22 =	sand.u32 $0x70, s21;
	s23 =	sand.u32 $0x3C00, s20  }
0x41: {  	s22 =	sor.u32 s22, s23  }
0x42: {  	s21 =	sadd.s32 $0x10, s21;
	[tilespmem:s22+$0x180] =	vst v0  }
0x43: {  	s20 =	simm.s32 $0x0  }
0x44: {  	[tilespmem:s20], [sflag:$0x2] =	stream.linear.gather [hbm4b:s6+s20], $0x10, $0x38;
	[tilespmem:$0x4080] =	vst v63  }
0x45: {  	_ =	swait.ge [sflag:s16], $0x10  }
0x46: {  	[sflag:s16] =	ssyncset.done $0x0  }
0x47: {  	[sflag:s16] =	ssyncadd.s32 $0xFFFFFFF0  }
0x48: {  	v0 =	vld [tilespmem:$0x0];
	_ =	sdelay $0x2  }
0x49: {  	s21 =	sand.u32 $0x70, s20;
	s22 =	sand.u32 $0x3C00, s20  }
0x4a: {  	s22 =	sor.u32 s21, s22  }
0x4b: {  	s21 =	simm.s32 $0x10;
	[tilespmem:s22+$0x200] =	vst v0  }
.LBB2_8:
0x4c: {  	p2 =	sne.s32 s21, $0x7F0  }
.Ltmp5:
0x4d: {  	_ = 	snop;
	(pc) =	sbr.rel @p2 .LBB2_8-.Ltmp5, $4  }
0x4e: {  	s20 =	sadd.s32 $0x80, s20  }
0x4f: {  	s22 =	sand.u32 $0x70, s21;
	s23 =	sand.u32 $0x3C00, s20  }
0x50: {  	s22 =	sor.u32 s22, s23  }
0x51: {  	s21 =	sadd.s32 $0x10, s21;
	[tilespmem:s22+$0x200] =	vst v0  }
0x52: {  	s20 =	simm.s32 $0x0  }
0x53: {  	[tilespmem:s20], [sflag:$0x2] =	stream.linear.gather [hbm4b:s7+s20], $0x10, $0x38;
	[tilespmem:$0x4080] =	vst v63  }
0x54: {  	_ =	swait.ge [sflag:s16], $0x10  }
0x55: {  	[sflag:s16] =	ssyncset.done $0x0  }
0x56: {  	[sflag:s16] =	ssyncadd.s32 $0xFFFFFFF0  }
0x57: {  	v0 =	vld [tilespmem:$0x0];
	_ =	sdelay $0x2  }
0x58: {  	s21 =	sand.u32 $0x70, s20;
	s22 =	sand.u32 $0x3C00, s20  }
0x59: {  	s22 =	sor.u32 s21, s22  }
0x5a: {  	s21 =	simm.s32 $0x10;
	[tilespmem:s22+$0x280] =	vst v0  }
.LBB2_10:
0x5b: {  	p2 =	sne.s32 s21, $0x7F0  }
.Ltmp6:
0x5c: {  	_ = 	snop;
	(pc) =	sbr.rel @p2 .LBB2_10-.Ltmp6, $4  }
0x5d: {  	s20 =	sadd.s32 $0x80, s20  }
0x5e: {  	s22 =	sand.u32 $0x70, s21;
	s23 =	sand.u32 $0x3C00, s20  }
0x5f: {  	s22 =	sor.u32 s22, s23  }
0x60: {  	s21 =	sadd.s32 $0x10, s21;
	[tilespmem:s22+$0x280] =	vst v0  }
0x61: {  	s20 =	simm.s32 $0x0  }
0x62: {  	[tilespmem:s20], [sflag:$0x2] =	stream.linear.gather [hbm4b:s8+s20], $0x10, $0x38;
	[tilespmem:$0x4080] =	vst v63  }
0x63: {  	_ =	swait.ge [sflag:s16], $0x10  }
0x64: {  	[sflag:s16] =	ssyncset.done $0x0  }
0x65: {  	[sflag:s16] =	ssyncadd.s32 $0xFFFFFFF0  }
0x66: {  	v0 =	vld [tilespmem:$0x0];
	_ =	sdelay $0x2  }
0x67: {  	s21 =	sand.u32 $0x70, s20;
	s22 =	sand.u32 $0x3C00, s20  }
0x68: {  	s22 =	sor.u32 s21, s22  }
0x69: {  	s21 =	simm.s32 $0x10;
	[tilespmem:s22+$0x300] =	vst v0  }
.LBB2_12:
0x6a: {  	p2 =	sne.s32 s21, $0x7F0  }
.Ltmp7:
0x6b: {  	_ = 	snop;
	(pc) =	sbr.rel @p2 .LBB2_12-.Ltmp7, $4  }
0x6c: {  	s20 =	sadd.s32 $0x80, s20  }
0x6d: {  	s22 =	sand.u32 $0x70, s21;
	s23 =	sand.u32 $0x3C00, s20  }
0x6e: {  	s22 =	sor.u32 s22, s23  }
0x6f: {  	s21 =	sadd.s32 $0x10, s21;
	[tilespmem:s22+$0x300] =	vst v0  }
0x70: {  	s20 =	simm.s32 $0x0  }
0x71: {  	[tilespmem:s20], [sflag:$0x2] =	stream.linear.gather [hbm4b:s9+s20], $0x10, $0x38;
	[tilespmem:$0x4080] =	vst v63  }
0x72: {  	_ =	swait.ge [sflag:s16], $0x10  }
0x73: {  	[sflag:s16] =	ssyncset.done $0x0  }
0x74: {  	[sflag:s16] =	ssyncadd.s32 $0xFFFFFFF0  }
0x75: {  	v0 =	vld [tilespmem:$0x0];
	_ =	sdelay $0x2  }
0x76: {  	s21 =	sand.u32 $0x70, s20;
	s22 =	sand.u32 $0x3C00, s20  }
0x77: {  	s22 =	sor.u32 s21, s22  }
0x78: {  	s21 =	simm.s32 $0x10;
	[tilespmem:s22+$0x380] =	vst v0  }
.LBB2_14:
0x79: {  	p2 =	sne.s32 s21, $0x7F0  }
.Ltmp8:
0x7a: {  	_ = 	snop;
	(pc) =	sbr.rel @p2 .LBB2_14-.Ltmp8, $4  }
0x7b: {  	s20 =	sadd.s32 $0x80, s20  }
0x7c: {  	s22 =	sand.u32 $0x70, s21;
	s23 =	sand.u32 $0x3C00, s20  }
0x7d: {  	s22 =	sor.u32 s22, s23  }
0x7e: {  	s21 =	sadd.s32 $0x10, s21;
	[tilespmem:s22+$0x380] =	vst v0  }
0x7f: {  	s20 =	simm.s32 $0x0  }
0x80: {  	[tilespmem:s20], [sflag:$0x2] =	stream.linear.gather [hbm4b:s10+s20], $0x10, $0x38;
	[tilespmem:$0x4080] =	vst v63  }
0x81: {  	_ =	swait.ge [sflag:s16], $0x10  }
0x82: {  	[sflag:s16] =	ssyncset.done $0x0  }
0x83: {  	[sflag:s16] =	ssyncadd.s32 $0xFFFFFFF0  }
0x84: {  	v0 =	vld [tilespmem:$0x0]  }
0x85: {  	s21 =	sand.u32 $0x7, s20  }
0x86: {  	s21 =	sshll.u32 s21, $0x4  }
0x87: {  	s21 =	sadd.s32 $0x0, s21  }
0x88: {  	s22 =	sor.u32 $0x380, s21  }
0x89: {  	s21 =	simm.s32 $0x10;
	[tilespmem:s22+$0x80] =	vst v0;
	s22 =	simm.s32 $0x1  }
.LBB2_16:
0x8a: {  	s23 =	sand.u32 $0x7, s22;
	p2 =	sne.s32 s21, $0x7F0;
	s21 =	sadd.s32 $0x10, s21  }
.Ltmp9:
0x8b: {  	s20 =	sadd.s32 $0x80, s20;
	s23 =	sshll.u32 s23, $0x4;
	(pc) =	sbr.rel @p2 .LBB2_16-.Ltmp9, $4  }
0x8c: {  	s23 =	sadd.s32 s23, s20  }
0x8d: {  	s23 =	sor.u32 $0x380, s23  }
0x8e: {  	[tilespmem:s23+$0x80] =	vst v0  }
0x8f: {  	s22 =	sadd.s32 $0x1, s22  }
.Ltmp10:
0x90: {  	(pc) =	sbr.rel @p0 .LBB2_24-.Ltmp10, $2  }
0x91: {  	_ =	sdelay $0x2  }
0x92: {  	s20 =	simm.s32 $0x0  }
0x93: {  	p4 =	sgt.s32 s11, $0x1  }
.Ltmp11:
0x94: {  	_ = 	snop;
	(pc) =	sbr.rel @!p4 .LBB2_23-.Ltmp11, $3  }
0x95: {  	_ =	sdelay $0x1  }
0x96: {  	s22 =	simm.s32 $0x1  }
0x97: {  	p3 =	por $0x0, $0x0;
	s21 =	smov.u32 s15;
	s24 =	simm.s32 $0x0  }
0x98: {  	p4 =	sgt.s32 s11, $0x2  }
.Ltmp12:
0x99: {  	p2 =	slt.s32 s15, $0xC2D00;
	s21 =	smov.u32 s15;
	(pc) =	sbr.rel @!p4 .LBB2_20-.Ltmp12, $4  }
0x9a: {  	s21 =	simm.s32 @!p2 $0xC2D00;
	p2 =	por $0x1, $0x1  }
0x9b: {  	s24 =	simm.s32 $0x2;
	s21 =	sadd.s32 s21, s12;
	s23 =	simm.s32 @!p2 $0x1  }
0x9c: {  	[hbm4b:s21+s2] =	stream.linear.scatter [tilespmem:s17], [sflag:$0x1], $0x4000, $0x38;
	[tilespmem:$0x4080] =	vst v63  }
0x9d: {  	p3 =	por $0x1, $0x1;
	s21 =	sadd.s32 $0x800, s15;
	_ =	swait.ge @!p2 [sflag:s23], $0x4000  }
.LBB2_21:
0x9e: {  	p4 =	slt.s32 s21, $0xC2D00  }
0x9f: {  	s25 =	smov.u32 s24;
	s24 =	sadd.s32 $0x1, s24;
	s26 =	smov.u32 s21  }
0xa0: {  	[sflag:s23] =	ssyncset.done @!p2 $0x0;
	s26 =	simm.s32 @!p4 $0xC2D00;
	p4 =	slt.s32 s24, s11  }
.Ltmp13:
0xa1: {  	[sflag:s23] =	ssyncadd.s32 @!p2 $0xFFFFC000;
	(pc) =	sbr.rel @p4 .LBB2_21-.Ltmp13, $4  }
0xa2: {  	p2 =	slt.u32 s22, $0x8;
	s23 =	sadd.s32 s26, s12  }
0xa3: {  	[hbm4b:s23+s2] =	stream.linear.scatter [tilespmem:s17], [sflag:$0x1], $0x4000, $0x38;
	[tilespmem:$0x4080] =	vst v63  }
0xa4: {  	s22 =	smov.u32 s25;
	s23 =	simm.s32 @!p2 $0x1  }
0xa5: {  	s21 =	sadd.s32 $0x800, s21;
	_ =	swait.ge @!p2 [sflag:s23], $0x4000  }
0xa6: {  	s24 =	smov.u32 s22  }
.LBB2_23:
0xa7: {  	p4 =	slt.s32 s21, $0xC2D00;
	p2 =	por p2, !p3  }
0xa8: {  	[sflag:s23] =	ssyncset.done @!p2 $0x0;
	s21 =	simm.s32 @!p4 $0xC2D00  }
0xa9: {  	[sflag:s23] =	ssyncadd.s32 @!p2 $0xFFFFC000;
	s21 =	sadd.s32 s21, s12;
	p2 =	slt.u32 s24, $0x8  }
0xaa: {  	[hbm4b:s21+s2] =	stream.linear.scatter [tilespmem:s17], [sflag:$0x1], $0x4000, $0x38;
	[tilespmem:$0x4080] =	vst v63  }
0xab: {  	s21 =	simm.s32 @!p2 $0x1  }
0xac: {  	_ =	swait.ge @!p2 [sflag:s21], $0x4000  }
0xad: {  	[sflag:s21] =	ssyncset.done @!p2 $0x0  }
0xae: {  	[sflag:s21] =	ssyncadd.s32 @!p2 $0xFFFFC000  }
.LBB2_24:
.Ltmp14:
0xaf: {  	(pc) =	sbr.rel @p1 .LBB2_28-.Ltmp14, $1  }
0xb0: {  	_ =	sdelay $0x3  }
0xb1: {  	s20 =	sadd.s32 $0x1, s20  }
0xb2: {  	p2 =	slt.s32 s20, s13  }
.Ltmp15:
0xb3: {  	_ = 	snop;
	(pc) =	sbr.rel @!p2 .LBB2_27-.Ltmp15, $3  }
0xb4: {  	_ =	sdelay $0x1  }
0xb5: {  	_ =	swait.ge [sflag:s18], $0x4000  }
0xb6: {  	[sflag:s18] =	ssyncset.done $0x0  }
.LBB2_26:
0xb7: {  	s20 =	sadd.s32 $0x1, s20  }
0xb8: {  	[sflag:s18] =	ssyncadd.s32 $0xFFFFC000;
	p2 =	slt.s32 s20, s13  }
.Ltmp16:
0xb9: {  	(pc) =	sbr.rel @p2 .LBB2_26-.Ltmp16, $3  }
0xba: {  	_ =	sdelay $0x1  }
0xbb: {  	_ =	swait.ge [sflag:s18], $0x4000  }
0xbc: {  	[sflag:s18] =	ssyncset.done $0x0  }
.Ltmp17:
0xbd: {  	_ = 	snop;
	(pc) =	sbr.rel .LBB2_27-.Ltmp17, $1  }
0xbe: {  	_ =	sdelay $0x3  }
.LBB2_20:
.Ltmp18:
0xbf: {  	(pc) =	sbr.rel .LBB2_23-.Ltmp18, $2  }
0xc0: {  	_ =	sdelay $0x2  }
0xc1: {  	s24 =	simm.s32 $0x1  }
.LBB2_29:
0xc2: {  	_ =	sfence.sel $0x180000  }
0xc3: {  	[bflag:$0x0] =	sbarrier.arrive $0xFFFF  }
0xc4: {  	p0 =	sne.s32 s1, $0x0;
	_ =	strace $0x90000047  }
0xc5: {  	s0 =	sadd.s32 @!p0 $0x100000, s0;
	[bflag:$0x2] =	sbarrier.arrive $0xFFFF  }
0xc6: {  	[sflag:s0] =	ssyncadd.tile.s32 @!p0 $0x1;
	_ =	shalt  }
.Lfunc_end2:
_tile_overlayer_lowered:
.L_overlay_start_2:
0xc7: {  	(tag) =	ssettag $0x2  }
0xc8: {  	s0 =	rddreg [dreg:$0x0];
	s2 =	stileid.u32  }
0xc9: {  	s1 =	rddreg [dreg:$0x1];
	p0 =	sne.s32 s2, $0x0  }
0xca: {  	s3 =	rddreg [dreg:$0x2];
	[bflag:$0x3] =	sbarrier.arrive $0xFFFF;
	s2 =	simm.s32 @!p0 $0x1C02  }
0xcb: {  	[timem:s3], [sflag:s2] =	dma.local @!p0 [hbm:s0], s1  }
0xcc: {  	s0 =	simm.s32 @!p0 $0x2  }
0xcd: {  	_ =	swait.ge @!p0 [sflag:s0], s1  }
0xce: {  	s1 =	ssub.s32 @!p0 $0x0, s1;
	[sflag:s0] =	ssyncset.done @!p0 $0x0  }
0xcf: {  	[sflag:s0] =	ssyncadd.s32 @!p0 s1  }
0xd0: {  	[bflag:$0x3] =	sbarrier.arrive $0xFFFF  }
0xd1: {  	_ =	shalt  }

</sc_bundles>
